<compile_context>
chip_gen: v7x
topology: tpu7x:2x2x1
jax: 0.10.2.dev20260603
libtpu: 0.0.44.dev20260713+nightly
codegen_flags: <defaults>
</compile_context>

<pallas_src>
import functools
import math

import jax
import jax.numpy as jnp
from jax import lax
from jax.experimental import pallas as pl
from jax.experimental.pallas import tpu as pltpu
from jax.experimental.pallas import tpu_sc as plsc

N_NODES = 10000
N_PAD = 10240
D = 128
NC = 2
NS = 16
NW = NC * NS
CHUNK = 128
ROWS_PER_TILE = N_PAD // NS
RBLK = 512



def _sc_mesh():
    return plsc.VectorSubcoreMesh(core_axis_name="c", subcore_axis_name="s")


@functools.partial(jax.jit, static_argnums=(1,))
def _sc_degree(dst_blocks, ept):

    @functools.partial(
        pl.kernel,
        mesh=_sc_mesh(),
        out_type=jax.ShapeDtypeStruct((NW, N_PAD), jnp.float32),
        scratch_types=[
            pltpu.VMEM((ept, CHUNK), jnp.int32),
            pltpu.VMEM((N_PAD,), jnp.float32),
        ],
        compiler_params=pltpu.CompilerParams(needs_layout_passes=False),
    )
    def deg_kernel(dst_hbm, out_hbm, dst_v, deg_v):
        c = lax.axis_index("c")
        s = lax.axis_index("s")
        wid = s * NC + c
        pltpu.sync_copy(dst_hbm.at[wid], dst_v)

        zeros16 = jnp.zeros((16,), jnp.float32)

        def zero_body(i, _):
            deg_v[pl.ds(i * 16, 16)] = zeros16
            return 0

        lax.fori_loop(0, N_PAD // 16, zero_body, 0)

        ones16 = jnp.full((16,), 1.0, jnp.float32)

        def count_body(j, _):
            for k in range(CHUNK // 16):
                idx = dst_v[j, pl.ds(k * 16, 16)]
                plsc.addupdate_scatter(deg_v, [idx], ones16)
            return 0

        lax.fori_loop(0, ept, count_body, 0)
        pltpu.sync_copy(deg_v, out_hbm.at[wid])

    return deg_kernel(dst_blocks)


@functools.partial(jax.jit, static_argnums=(3,))
def _sc_scatter(src_blocks, dst_blocks, g, ept):

    @functools.partial(
        pl.kernel,
        mesh=_sc_mesh(),
        out_type=jax.ShapeDtypeStruct((NC, N_PAD, D), jnp.float32),
        scratch_types=[
            pltpu.VMEM((ept, CHUNK), jnp.int32),
            pltpu.VMEM((ept, CHUNK), jnp.int32),
            pltpu.VMEM((CHUNK, D), jnp.float32),
            pltpu.VMEM_SHARED((N_PAD, D), jnp.float32),
            pltpu.SemaphoreType.DMA,
        ],
        compiler_params=pltpu.CompilerParams(needs_layout_passes=False),
    )
    def scat_kernel(src_hbm, dst_hbm, g_hbm, out_hbm,
                    src_v, dst_v, rows_v, acc_sh, sem):
        c = lax.axis_index("c")
        s = lax.axis_index("s")
        wid = s * NC + c
        pltpu.sync_copy(src_hbm.at[wid], src_v)
        pltpu.sync_copy(dst_hbm.at[wid], dst_v)
        row0 = s * ROWS_PER_TILE
        pltpu.sync_copy(g_hbm.at[pl.ds(row0, ROWS_PER_TILE)],
                        acc_sh.at[pl.ds(row0, ROWS_PER_TILE)])
        plsc.subcore_barrier()

        def body(j, _):
            cp = pltpu.async_copy(g_hbm.at[src_v.at[j]], rows_v, sem)
            cp.wait()
            pltpu.sync_copy(rows_v, acc_sh.at[dst_v.at[j]], add=True)
            return 0

        lax.fori_loop(0, ept, body, 0)
        plsc.subcore_barrier()
        pltpu.sync_copy(acc_sh.at[pl.ds(row0, ROWS_PER_TILE)],
                        out_hbm.at[c].at[pl.ds(row0, ROWS_PER_TILE)])

    return scat_kernel(src_blocks, dst_blocks, g)



def _tc_stage0(deg_partials, x_pad, W1):

    def body(deg_ref, x_ref, w_ref, g_ref, dinv_ref):
        i = pl.program_id(0)
        deg = jnp.sum(deg_ref[...], axis=0) + 1.0
        rows = i * RBLK + lax.broadcasted_iota(jnp.int32, (RBLK, 1), 0)
        dinv_col = jnp.where(rows < N_NODES, lax.rsqrt(deg)[:, None], 0.0)
        dmat = jnp.broadcast_to(dinv_col, (RBLK, D))
        g = jnp.dot(x_ref[...], w_ref[...],
                    preferred_element_type=jnp.float32) * dmat
        g_ref[...] = g
        dinv_ref[...] = dmat

    grid = (N_PAD // RBLK,)
    return pl.pallas_call(
        body,
        grid=grid,
        in_specs=[
            pl.BlockSpec((NW, RBLK), lambda i: (0, i)),
            pl.BlockSpec((RBLK, D), lambda i: (i, 0)),
            pl.BlockSpec((D, D), lambda i: (0, 0)),
        ],
        out_specs=[
            pl.BlockSpec((RBLK, D), lambda i: (i, 0)),
            pl.BlockSpec((RBLK, D), lambda i: (i, 0)),
        ],
        out_shape=[
            jax.ShapeDtypeStruct((N_PAD, D), jnp.float32),
            jax.ShapeDtypeStruct((N_PAD, D), jnp.float32),
        ],
    )(deg_partials, x_pad, W1)


def _tc_stage_mid(S, g_prev, dinv2d, b, W_next):

    def body(s_ref, g_ref, d_ref, b_ref, w_ref, out_ref):
        sarr = s_ref[...]
        agg = sarr[0] + sarr[1] - g_ref[...]
        d = d_ref[...]
        u = jax.nn.relu(agg * d + b_ref[...])
        out_ref[...] = jnp.dot(u, w_ref[...],
                               preferred_element_type=jnp.float32) * d

    grid = (N_PAD // RBLK,)
    return pl.pallas_call(
        body,
        grid=grid,
        in_specs=[
            pl.BlockSpec((NC, RBLK, D), lambda i: (0, i, 0)),
            pl.BlockSpec((RBLK, D), lambda i: (i, 0)),
            pl.BlockSpec((RBLK, D), lambda i: (i, 0)),
            pl.BlockSpec((1, D), lambda i: (0, 0)),
            pl.BlockSpec((D, D), lambda i: (0, 0)),
        ],
        out_specs=pl.BlockSpec((RBLK, D), lambda i: (i, 0)),
        out_shape=jax.ShapeDtypeStruct((N_PAD, D), jnp.float32),
    )(S, g_prev, dinv2d, b, W_next)


def _tc_stage_final(S, g_prev, dinv2d, b3, Wp1, bp1, Wt1, bt1,
                    Wp2pad, Wt2pad, bcat):

    def body(s_ref, g_ref, d_ref, b_ref, wp1_ref, bp1_ref, wt1_ref, bt1_ref,
             wp2_ref, wt2_ref, bc_ref, out_ref):
        sarr = s_ref[...]
        agg = sarr[0] + sarr[1] - g_ref[...]
        u = jax.nn.relu(agg * d_ref[...] + b_ref[...])
        ph = jax.nn.relu(jnp.dot(u, wp1_ref[...],
                                 preferred_element_type=jnp.float32)
                         + bp1_ref[...])
        th = jax.nn.relu(jnp.dot(u, wt1_ref[...],
                                 preferred_element_type=jnp.float32)
                         + bt1_ref[...])
        out_ref[...] = (jnp.dot(ph, wp2_ref[...],
                                preferred_element_type=jnp.float32)
                        + jnp.dot(th, wt2_ref[...],
                                  preferred_element_type=jnp.float32)
                        + bc_ref[...])

    grid = (N_PAD // RBLK,)
    H2 = Wt1.shape[1]
    return pl.pallas_call(
        body,
        grid=grid,
        in_specs=[
            pl.BlockSpec((NC, RBLK, D), lambda i: (0, i, 0)),
            pl.BlockSpec((RBLK, D), lambda i: (i, 0)),
            pl.BlockSpec((RBLK, D), lambda i: (i, 0)),
            pl.BlockSpec((1, D), lambda i: (0, 0)),
            pl.BlockSpec((D, D), lambda i: (0, 0)),
            pl.BlockSpec((1, D), lambda i: (0, 0)),
            pl.BlockSpec((D, H2), lambda i: (0, 0)),
            pl.BlockSpec((1, H2), lambda i: (0, 0)),
            pl.BlockSpec((D, D), lambda i: (0, 0)),
            pl.BlockSpec((H2, D), lambda i: (0, 0)),
            pl.BlockSpec((1, D), lambda i: (0, 0)),
        ],
        out_specs=pl.BlockSpec((RBLK, D), lambda i: (i, 0)),
        out_shape=jax.ShapeDtypeStruct((N_PAD, D), jnp.float32),
    )(S, g_prev, dinv2d, b3, Wp1, bp1, Wt1, bt1, Wp2pad, Wt2pad, bcat)



def kernel(x, edge_index, W1, b1, W2, b2, W3, b3,
           Wp1, bp1, Wp2, bp2, Wt1, bt1, Wt2, bt2):
    E = edge_index.shape[1]
    ept = math.ceil(E / (NW * CHUNK))
    e_tot = NW * CHUNK * ept
    pad_e = e_tot - E

    pad_idx = jnp.full((pad_e,), N_NODES, jnp.int32)
    src = jnp.concatenate([edge_index[0].astype(jnp.int32), pad_idx])
    dst = jnp.concatenate([edge_index[1].astype(jnp.int32), pad_idx])
    src_blocks = src.reshape(NW, ept, CHUNK)
    dst_blocks = dst.reshape(NW, ept, CHUNK)

    x_pad = jnp.pad(x, ((0, N_PAD - x.shape[0]), (0, 0)))

    H2 = Wt1.shape[1]
    Wp2pad = jnp.zeros((D, D), jnp.float32).at[:, 0:2].set(Wp2)
    Wt2pad = jnp.zeros((H2, D), jnp.float32).at[:, 2:3].set(Wt2)
    bcat = jnp.zeros((1, D), jnp.float32).at[0, 0:2].set(bp2).at[0, 2].set(bt2[0])

    deg_partials = _sc_degree(dst_blocks, ept)
    g1, dinv2d = _tc_stage0(deg_partials, x_pad, W1)

    S1 = _sc_scatter(src_blocks, dst_blocks, g1, ept)
    g2 = _tc_stage_mid(S1, g1, dinv2d, b1.reshape(1, D), W2)

    S2 = _sc_scatter(src_blocks, dst_blocks, g2, ept)
    g3 = _tc_stage_mid(S2, g2, dinv2d, b2.reshape(1, D), W3)

    S3 = _sc_scatter(src_blocks, dst_blocks, g3, ept)
    out_pad = _tc_stage_final(S3, g3, dinv2d, b3.reshape(1, D),
                              Wp1, bp1.reshape(1, D), Wt1, bt1.reshape(1, H2),
                              Wp2pad, Wt2pad, bcat)
    return out_pad[:N_NODES, :3]

# --- scband reference (transcript-rebuilt; emitter-appended) ---
"""Pipeline reference for scband-ship-gnn-23184233464436 (READ-ONLY COPY).

The authoritative reference and input builder live on the scoring server;
editing this copy changes nothing except your own understanding.
"""

import jax, jax.numpy as jnp
import numpy as np

N, D, H, E = 10000, 128, 128, 320000


def xavier(k, shape):
    lim = (6.0 / (shape[0] + shape[1])) ** 0.5
    return jax.random.uniform(k, shape, jnp.float32, -lim, lim)


def gcn_conv(x, edge_index, W, b):
    n = x.shape[0]
    loop = jnp.arange(n, dtype=edge_index.dtype)
    src = jnp.concatenate([edge_index[0], loop])
    dst = jnp.concatenate([edge_index[1], loop])
    deg = jnp.zeros((n,), x.dtype).at[dst].add(1.0)
    dinv = jnp.where(deg > 0, jax.lax.rsqrt(deg), 0.0)
    norm = dinv[src] * dinv[dst]
    h = x @ W
    msg = h[src] * norm[:, None]
    return jax.ops.segment_sum(msg, dst, num_segments=n) + b


def setup_inputs(seed: int = 0):
    key = jax.random.key(seed)
    ks = jax.random.split(key, 16)
    inp = {
        "x": jax.random.normal(ks[0], (N, D), jnp.float32),
        "edge_index": jax.random.randint(ks[1], (2, E), 0, N, jnp.int32),
        "W1": xavier(ks[2], (D, H)), "b1": jnp.zeros((H,), jnp.float32),
        "W2": xavier(ks[3], (H, H)), "b2": jnp.zeros((H,), jnp.float32),
        "W3": xavier(ks[4], (H, H)), "b3": jnp.zeros((H,), jnp.float32),
        "Wp1": xavier(ks[5], (H, H)), "bp1": jnp.zeros((H,), jnp.float32),
        "Wp2": xavier(ks[6], (H, 2)), "bp2": jnp.zeros((2,), jnp.float32),
        "Wt1": xavier(ks[7], (H, H // 2)), "bt1": jnp.zeros((H // 2,), jnp.float32),
        "Wt2": xavier(ks[8], (H // 2, 1)), "bt2": jnp.zeros((1,), jnp.float32),
    }
    return inp


def reference(x, edge_index, W1, b1, W2, b2, W3, b3, Wp1, bp1, Wp2, bp2, Wt1, bt1, Wt2, bt2):
    # dropout is identity in eval mode
    h = jax.nn.relu(gcn_conv(x, edge_index, W1, b1))
    h = jax.nn.relu(gcn_conv(h, edge_index, W2, b2))
    h = jax.nn.relu(gcn_conv(h, edge_index, W3, b3))
    pos = jax.nn.relu(h @ Wp1 + bp1) @ Wp2 + bp2
    time = jax.nn.relu(h @ Wt1 + bt1) @ Wt2 + bt2
    return jnp.concatenate([pos, time], axis=1)

if __name__ == "__main__":
    import jax
    _d = setup_inputs()
    print(jax.jit(kernel)(*tuple(_d.values())))

</pallas_src>

<mosaic_0001>
#map = affine_map<(d0, d1) -> (0, 0, 0)>
#map1 = affine_map<(d0, d1) -> (0, 0)>
module attributes {stable_mosaic.version = 14 : i64} {
  func.func @deg_kernel(%arg0: i32, %arg1: i32, %arg2: memref<32x79x128xi32, #tpu.memory_space<hbm>>, %arg3: memref<32x10240xf32, #tpu.memory_space<hbm>>, %arg4: memref<79x128xi32, #tpu.memory_space<vmem>>, %arg5: memref<10240xf32, #tpu.memory_space<vmem>>) attributes {dimension_semantics = [#tpu.dimension_semantics<core_parallel>, #tpu.dimension_semantics<subcore_parallel>], iteration_bounds = array<i64: 2, 16>, scalar_prefetch = 0 : i64, scratch_operands = 2 : i64, tpu.core_type = #tpu.core_type<sc_vector_subcore>, window_params = [{transform_indices = #map}, {transform_indices = #map1}]} {
    %mul3A = arith.constant 2 : i32
    %mul3A_0 = arith.muli %arg1, %mul3A : i32
    %add3A = arith.addi %mul3A_0, %arg0 : i32
    "tpu.region"() ({
      %run_scoped3A = tpu.sem_alloc : memref<!tpu.dma_semaphore, #tpu.memory_space<semaphore_mem>>
      %dma_start3A = arith.constant 0 : i32
      %dma_start3A_17 = arith.constant 0 : i32
      %dma_start3A_18 = tpu.memref_slice %arg2[%add3A, %dma_start3A, %dma_start3A_17] : memref<32x79x128xi32, #tpu.memory_space<hbm>> -> memref<1x79x128xi32, #tpu.memory_space<hbm>>
      %dma_start3A_19 = tpu.memref_squeeze %dma_start3A_18 : memref<1x79x128xi32, #tpu.memory_space<hbm>> -> memref<79x128xi32, #tpu.memory_space<hbm>>
      %dma_start3A_20 = arith.constant 0 : i32
      %dma_start3A_21 = arith.constant 0 : i32
      %dma_start3A_22 = tpu.memref_slice %arg2[%add3A, %dma_start3A_20, %dma_start3A_21] : memref<32x79x128xi32, #tpu.memory_space<hbm>> -> memref<1x79x128xi32, #tpu.memory_space<hbm>>
      %dma_start3A_23 = tpu.memref_squeeze %dma_start3A_22 : memref<1x79x128xi32, #tpu.memory_space<hbm>> -> memref<79x128xi32, #tpu.memory_space<hbm>>
      tpu.enqueue_dma source(%dma_start3A_23 : memref<79x128xi32, #tpu.memory_space<hbm>>) target(%arg4 : memref<79x128xi32, #tpu.memory_space<vmem>>) target_semaphore(%run_scoped3A : memref<!tpu.dma_semaphore, #tpu.memory_space<semaphore_mem>>)
      %dma_wait3A = arith.constant 0 : i32
      %dma_wait3A_24 = arith.constant 0 : i32
      %dma_wait3A_25 = tpu.memref_slice %arg2[%add3A, %dma_wait3A, %dma_wait3A_24] : memref<32x79x128xi32, #tpu.memory_space<hbm>> -> memref<1x79x128xi32, #tpu.memory_space<hbm>>
      %dma_wait3A_26 = tpu.memref_squeeze %dma_wait3A_25 : memref<1x79x128xi32, #tpu.memory_space<hbm>> -> memref<79x128xi32, #tpu.memory_space<hbm>>
      %dma_wait3A_27 = arith.constant 0 : i32
      %dma_wait3A_28 = arith.constant 0 : i32
      %dma_wait3A_29 = tpu.memref_slice %arg2[%add3A, %dma_wait3A_27, %dma_wait3A_28] : memref<32x79x128xi32, #tpu.memory_space<hbm>> -> memref<1x79x128xi32, #tpu.memory_space<hbm>>
      %dma_wait3A_30 = tpu.memref_squeeze %dma_wait3A_29 : memref<1x79x128xi32, #tpu.memory_space<hbm>> -> memref<79x128xi32, #tpu.memory_space<hbm>>
      tpu.wait_dma2 semaphore(%run_scoped3A : memref<!tpu.dma_semaphore, #tpu.memory_space<semaphore_mem>>) src(%dma_wait3A_30 : memref<79x128xi32, #tpu.memory_space<hbm>>) dst(%arg4 : memref<79x128xi32, #tpu.memory_space<vmem>>)
      tpu.yield
    }) : () -> ()
    %broadcast_in_dim3A = arith.constant 0.000000e+00 : f32
    %broadcast_in_dim3A_1 = vector.broadcast %broadcast_in_dim3A : f32 to vector<16xf32>
    %scan3A = arith.constant 0 : i32
    %scan3A_2 = arith.constant 0 : i32
    %scan3A_3 = arith.constant 640 : i32
    %scan3A_4 = arith.addi %scan3A_2, %scan3A_3 : i32
    %scan3A_5 = arith.constant 1 : i32
    %scan3A_6 = scf.for %scan3A_17 = %scan3A_2 to %scan3A_4 step %scan3A_5 iter_args(%scan3A_18 = %scan3A) -> (i32)  : i32 {
      %mul3A_19 = arith.constant 16 : i32
      %mul3A_20 = arith.muli %scan3A_17, %mul3A_19 : i32
      %swap3A = arith.index_cast %mul3A_20 : i32 to index
      %swap3A_21 = tpu.vector_load %arg5[%swap3A] {strides = array<i32>} : memref<10240xf32, #tpu.memory_space<vmem>>, vector<16xf32>,
      tpu.vector_store %arg5[%swap3A], %broadcast_in_dim3A_1 {strides = array<i32>} : memref<10240xf32, #tpu.memory_space<vmem>>, vector<16xf32>,
      %scan3A_22 = arith.constant 0 : i32
      scf.yield %scan3A_22 : i32
    }
    %scan3A_7 = arith.constant 640 : i32
    %broadcast_in_dim3A_8 = arith.constant 1.000000e+00 : f32
    %broadcast_in_dim3A_9 = vector.broadcast %broadcast_in_dim3A_8 : f32 to vector<16xf32>
    %scan3A_10 = arith.constant 0 : i32
    %scan3A_11 = arith.constant 0 : i32
    %scan3A_12 = arith.constant 79 : i32
    %scan3A_13 = arith.addi %scan3A_11, %scan3A_12 : i32
    %scan3A_14 = arith.constant 1 : i32
    %scan3A_15 = scf.for %scan3A_17 = %scan3A_11 to %scan3A_13 step %scan3A_14 iter_args(%scan3A_18 = %scan3A_10) -> (i32)  : i32 {
      %get3A = arith.index_cast %scan3A_17 : i32 to index
      %get3A_19 = arith.constant 0 : index
      %get3A_20 = tpu.vector_load %arg4[%get3A, %get3A_19] {strides = array<i32>} : memref<79x128xi32, #tpu.memory_space<vmem>>, vector<16xi32>,
      tpu.vector_store_idx %arg5[%get3A_20], %broadcast_in_dim3A_9 {add = true} : memref<10240xf32, #tpu.memory_space<vmem>>[vector<16xi32>], vector<16xf32>,
      %get3A_21 = arith.index_cast %scan3A_17 : i32 to index
      %get3A_22 = arith.constant 16 : index
      %get3A_23 = tpu.vector_load %arg4[%get3A_21, %get3A_22] {strides = array<i32>} : memref<79x128xi32, #tpu.memory_space<vmem>>, vector<16xi32>,
      tpu.vector_store_idx %arg5[%get3A_23], %broadcast_in_dim3A_9 {add = true} : memref<10240xf32, #tpu.memory_space<vmem>>[vector<16xi32>], vector<16xf32>,
      %get3A_24 = arith.index_cast %scan3A_17 : i32 to index
      %get3A_25 = arith.constant 32 : index
      %get3A_26 = tpu.vector_load %arg4[%get3A_24, %get3A_25] {strides = array<i32>} : memref<79x128xi32, #tpu.memory_space<vmem>>, vector<16xi32>,
      tpu.vector_store_idx %arg5[%get3A_26], %broadcast_in_dim3A_9 {add = true} : memref<10240xf32, #tpu.memory_space<vmem>>[vector<16xi32>], vector<16xf32>,
      %get3A_27 = arith.index_cast %scan3A_17 : i32 to index
      %get3A_28 = arith.constant 48 : index
      %get3A_29 = tpu.vector_load %arg4[%get3A_27, %get3A_28] {strides = array<i32>} : memref<79x128xi32, #tpu.memory_space<vmem>>, vector<16xi32>,
      tpu.vector_store_idx %arg5[%get3A_29], %broadcast_in_dim3A_9 {add = true} : memref<10240xf32, #tpu.memory_space<vmem>>[vector<16xi32>], vector<16xf32>,
      %get3A_30 = arith.index_cast %scan3A_17 : i32 to index
      %get3A_31 = arith.constant 64 : index
      %get3A_32 = tpu.vector_load %arg4[%get3A_30, %get3A_31] {strides = array<i32>} : memref<79x128xi32, #tpu.memory_space<vmem>>, vector<16xi32>,
      tpu.vector_store_idx %arg5[%get3A_32], %broadcast_in_dim3A_9 {add = true} : memref<10240xf32, #tpu.memory_space<vmem>>[vector<16xi32>], vector<16xf32>,
      %get3A_33 = arith.index_cast %scan3A_17 : i32 to index
      %get3A_34 = arith.constant 80 : index
      %get3A_35 = tpu.vector_load %arg4[%get3A_33, %get3A_34] {strides = array<i32>} : memref<79x128xi32, #tpu.memory_space<vmem>>, vector<16xi32>,
      tpu.vector_store_idx %arg5[%get3A_35], %broadcast_in_dim3A_9 {add = true} : memref<10240xf32, #tpu.memory_space<vmem>>[vector<16xi32>], vector<16xf32>,
      %get3A_36 = arith.index_cast %scan3A_17 : i32 to index
      %get3A_37 = arith.constant 96 : index
      %get3A_38 = tpu.vector_load %arg4[%get3A_36, %get3A_37] {strides = array<i32>} : memref<79x128xi32, #tpu.memory_space<vmem>>, vector<16xi32>,
      tpu.vector_store_idx %arg5[%get3A_38], %broadcast_in_dim3A_9 {add = true} : memref<10240xf32, #tpu.memory_space<vmem>>[vector<16xi32>], vector<16xf32>,
      %get3A_39 = arith.index_cast %scan3A_17 : i32 to index
      %get3A_40 = arith.constant 112 : index
      %get3A_41 = tpu.vector_load %arg4[%get3A_39, %get3A_40] {strides = array<i32>} : memref<79x128xi32, #tpu.memory_space<vmem>>, vector<16xi32>,
      tpu.vector_store_idx %arg5[%get3A_41], %broadcast_in_dim3A_9 {add = true} : memref<10240xf32, #tpu.memory_space<vmem>>[vector<16xi32>], vector<16xf32>,
      %scan3A_42 = arith.constant 0 : i32
      scf.yield %scan3A_42 : i32
    }
    %scan3A_16 = arith.constant 79 : i32
    "tpu.region"() ({
      %run_scoped3A = tpu.sem_alloc : memref<!tpu.dma_semaphore, #tpu.memory_space<semaphore_mem>>
      %dma_start3A = arith.constant 0 : i32
      %dma_start3A_17 = tpu.memref_slice %arg3[%add3A, %dma_start3A] : memref<32x10240xf32, #tpu.memory_space<hbm>> -> memref<1x10240xf32, #tpu.memory_space<hbm>>
      %dma_start3A_18 = tpu.memref_squeeze %dma_start3A_17 : memref<1x10240xf32, #tpu.memory_space<hbm>> -> memref<10240xf32, #tpu.memory_space<hbm>>
      %dma_start3A_19 = arith.constant 0 : i32
      %dma_start3A_20 = tpu.memref_slice %arg3[%add3A, %dma_start3A_19] : memref<32x10240xf32, #tpu.memory_space<hbm>> -> memref<1x10240xf32, #tpu.memory_space<hbm>>
      %dma_start3A_21 = tpu.memref_squeeze %dma_start3A_20 : memref<1x10240xf32, #tpu.memory_space<hbm>> -> memref<10240xf32, #tpu.memory_space<hbm>>
      tpu.enqueue_dma source(%arg5 : memref<10240xf32, #tpu.memory_space<vmem>>) target(%dma_start3A_21 : memref<10240xf32, #tpu.memory_space<hbm>>) target_semaphore(%run_scoped3A : memref<!tpu.dma_semaphore, #tpu.memory_space<semaphore_mem>>)
      %dma_wait3A = arith.constant 0 : i32
      %dma_wait3A_22 = tpu.memref_slice %arg3[%add3A, %dma_wait3A] : memref<32x10240xf32, #tpu.memory_space<hbm>> -> memref<1x10240xf32, #tpu.memory_space<hbm>>
      %dma_wait3A_23 = tpu.memref_squeeze %dma_wait3A_22 : memref<1x10240xf32, #tpu.memory_space<hbm>> -> memref<10240xf32, #tpu.memory_space<hbm>>
      %dma_wait3A_24 = arith.constant 0 : i32
      %dma_wait3A_25 = tpu.memref_slice %arg3[%add3A, %dma_wait3A_24] : memref<32x10240xf32, #tpu.memory_space<hbm>> -> memref<1x10240xf32, #tpu.memory_space<hbm>>
      %dma_wait3A_26 = tpu.memref_squeeze %dma_wait3A_25 : memref<1x10240xf32, #tpu.memory_space<hbm>> -> memref<10240xf32, #tpu.memory_space<hbm>>
      tpu.wait_dma2 semaphore(%run_scoped3A : memref<!tpu.dma_semaphore, #tpu.memory_space<semaphore_mem>>) src(%arg5 : memref<10240xf32, #tpu.memory_space<vmem>>) dst(%dma_wait3A_26 : memref<10240xf32, #tpu.memory_space<hbm>>)
      tpu.yield
    }) : () -> ()
    return
  }
}

</mosaic_0001>

<sc_bundles>
// kernel: _sc_degree.3.cloned.1.call-start
scs
__scs_entry_jumppad:
0x0: {  	(pc) =	sbr.rel $0x88, $3  }
0x1: {  	(tag) =	ssettag $0x0;
	lr =	simm.s32 $0x1  }
0x2: {  	[smem:$0x3FA0] =	sst lr;
	_ =	strace $0xD0000000  }
0x3: {  	_ = 	snop  }
0x4: {  	_ = 	snop  }
0x5: {  	_ = 	snop  }
0x6: {  	_ = 	snop  }
0x7: {  	_ = 	snop  }
__scs_overlays_trampoline_lowered:
0x8: {  	[smem:$0x3FAF] =	sst s0  }
0x9: {  	[smem:$0x3FB0] =	sst s1  }
0xa: {  	[smem:$0x3FB1] =	sst s2  }
0xb: {  	[smem:$0x3FB2] =	sst s3  }
0xc: {  	[smem:$0x3FB3] =	sst s4  }
0xd: {  	[smem:$0x3FB4] =	sst s5  }
0xe: {  	[smem:$0x3FB5] =	sst s6  }
0xf: {  	[smem:$0x3FB6] =	sst s7  }
0x10: {  	[smem:$0x3FB7] =	sst s8  }
0x11: {  	[smem:$0x3FB8] =	sst s9;
	s0 =	simm.s32 @!p0 $0x0  }
0x12: {  	s1 =	sld [smem:$0x3F9E];
	s0 =	simm.s32 @p0 $0x1  }
0x13: {  	[smem:$0x3FB9] =	sst s0;
	s0 =	simm.s32 @!p1 $0x0  }
0x14: {  	s2 =	sld [smem:$0x3F9D];
	s0 =	simm.s32 @p1 $0x1  }
0x15: {  	[smem:$0x3FBA] =	sst s0;
	s0 =	simm.s32 @!p2 $0x0  }
0x16: {  	s3 =	sld [smem:$0x3FDB];
	s0 =	simm.s32 @p2 $0x1  }
0x17: {  	s4 =	simm.s32 $0x1BF5;
	[smem:$0x3FBC] =	sst s0  }
0x18: {  	s0 =	sld [smem:$0x3F9F];
	_ =	swait.ge [sflag:s4], $0x0  }
0x19: {  	s7 =	sld [smem:$0x3FA0]  }
0x1a: {  	s8 =	sadd.s32 $0xFFFFE003, lr  }
0x1b: {  	s9 =	sadd.s32 $0xFFFFFEF7, lr;
	s5 =	simm.s32 $0xFFFFFFFF;
	p2 =	slt.u32 s8, $0xFFFFF086  }
0x1c: {  	p1 =	slt.u32 s9, $0xF7A;
	s5 =	simm.s32 @!p2 $0x0  }
0x1d: {  	s5 =	simm.s32 @p1 $0x1;
	p0 =	seq.s32 s7, s2  }
0x1e: {  	s7 =	smul.u32 @!p0 $0xF7A, s2;
	p2 =	seq.s32 @!p0 s5, $0x0  }
0x1f: {  	s9 =	smul.u32 $0xF7A, s1;
	s8 =	simm.s32 @!p0 $0x1BF5;
	p2 =	por !p2, p0  }
0x20: {  	[sflag:s8] =	ssyncset.s32 @!p0 $0xFFFFF086;
	s6 =	sadd.s32 @!p0 s3, s7;
	s7 =	simm.s32 @!p0 $0x108  }
0x21: {  	s3 =	sadd.s32 s3, s9;
	s6 =	sadd.s32 @!p0 $0x88, s6;
	s7 =	simm.s32 @p2 $0x1082  }
0x22: {  	[simem:s7], [sflag:s8] =	dma.local @!p0 [hbm:s6], $0xF7A  }
0x23: {  	s9 =	sor.u32 $0xD0000000, s2;
	s6 =	simm.s32 $0x108;
	_ =	swait.ge @!p0 [sflag:s8], $0x0  }
0x24: {  	s3 =	sadd.s32 $0x88, s3;
	s6 =	simm.s32 @!p1 $0x1082;
	[sflag:s4] =	ssyncset.s32 $0xFFFFF086  }
0x25: {  	[simem:s6], [sflag:s4] =	dma.local [hbm:s3], $0xF7A  }
0x26: {  	[smem:$0x3FA0] =	sst s1;
	(tag) =	ssettag s2;
	_ =	strace s9  }
0x27: {  	s1 =	sld [smem:$0x3FB0]  }
0x28: {  	s2 =	sld [smem:$0x3FB1]  }
0x29: {  	s4 =	sld [smem:$0x3FB3]  }
0x2a: {  	p0 =	seq.s32 s5, $0x0;
	s5 =	sld [smem:$0x3FB4]  }
0x2b: {  	s6 =	sld [smem:$0x3FB5]  }
0x2c: {  	s7 =	sld [smem:$0x3FB6]  }
0x2d: {  	s3 =	simm.s32 $0x108;
	s8 =	sld [smem:$0x3FB7]  }
0x2e: {  	s3 =	simm.s32 @!p0 $0x1082;
	s9 =	sld [smem:$0x3FB8]  }
0x2f: {  	lr =	sadd.s32 s0, s3;
	s0 =	sld [smem:$0x3FAF]  }
0x30: {  	s3 =	sld [smem:$0x3FB2]  }
0x31: {  	[smem:$0x3FBB] =	sst s10  }
0x32: {  	s10 =	sld [smem:$0x3FB9];
	_ =	sdelay $0x3  }
0x33: {  	p0 =	seq.s32 s10, $0x1;
	s10 =	sld [smem:$0x3FBB];
	_ =	sdelay $0x3  }
0x34: {  	[smem:$0x3FBB] =	sst s10  }
0x35: {  	s10 =	sld [smem:$0x3FBA];
	_ =	sdelay $0x3  }
0x36: {  	p1 =	seq.s32 s10, $0x1;
	s10 =	sld [smem:$0x3FBB];
	_ =	sdelay $0x3  }
0x37: {  	[smem:$0x3FBB] =	sst s10  }
0x38: {  	s10 =	sld [smem:$0x3FBC]  }
0x39: {  	_ = 	snop;
	(pc) =	sbr.ind lr, $3  }
0x3a: {  	_ = 	snop  }
0x3b: {  	_ = 	snop  }
0x3c: {  	p2 =	seq.s32 s10, $0x1;
	s10 =	sld [smem:$0x3FBB]  }
0x3d: {  	_ =	shalt  }
0x3e: {  	_ =	shalt  }
0x3f: {  	_ =	shalt  }
0x40: {  	_ =	shalt  }
0x41: {  	_ =	shalt  }
0x42: {  	_ =	shalt  }
0x43: {  	_ =	shalt  }
0x44: {  	_ =	shalt  }
0x45: {  	_ =	shalt  }
0x46: {  	_ =	shalt  }
0x47: {  	_ =	shalt  }
0x48: {  	_ =	shalt  }
0x49: {  	_ =	shalt  }
0x4a: {  	_ =	shalt  }
0x4b: {  	_ =	shalt  }
0x4c: {  	_ =	shalt  }
0x4d: {  	_ =	shalt  }
0x4e: {  	_ =	shalt  }
0x4f: {  	_ =	shalt  }
0x50: {  	_ =	shalt  }
0x51: {  	_ =	shalt  }
0x52: {  	_ =	shalt  }
0x53: {  	_ =	shalt  }
0x54: {  	_ =	shalt  }
0x55: {  	_ =	shalt  }
0x56: {  	_ =	shalt  }
0x57: {  	_ =	shalt  }
0x58: {  	_ =	shalt  }
0x59: {  	_ =	shalt  }
0x5a: {  	_ =	shalt  }
0x5b: {  	_ =	shalt  }
0x5c: {  	_ =	shalt  }
0x5d: {  	_ =	shalt  }
0x5e: {  	_ =	shalt  }
0x5f: {  	_ =	shalt  }
0x60: {  	_ =	shalt  }
0x61: {  	_ =	shalt  }
0x62: {  	_ =	shalt  }
0x63: {  	_ =	shalt  }
0x64: {  	_ =	shalt  }
0x65: {  	_ =	shalt  }
0x66: {  	_ =	shalt  }
0x67: {  	_ =	shalt  }
0x68: {  	_ =	shalt  }
0x69: {  	_ =	shalt  }
0x6a: {  	_ =	shalt  }
0x6b: {  	_ =	shalt  }
0x6c: {  	_ =	shalt  }
0x6d: {  	_ =	shalt  }
0x6e: {  	_ =	shalt  }
0x6f: {  	_ =	shalt  }
0x70: {  	_ =	shalt  }
0x71: {  	_ =	shalt  }
0x72: {  	_ =	shalt  }
0x73: {  	_ =	shalt  }
0x74: {  	_ =	shalt  }
0x75: {  	_ =	shalt  }
0x76: {  	_ =	shalt  }
0x77: {  	_ =	shalt  }
0x78: {  	_ =	shalt  }
0x79: {  	_ =	shalt  }
0x7a: {  	_ =	shalt  }
0x7b: {  	_ =	shalt  }
0x7c: {  	_ =	shalt  }
0x7d: {  	_ =	shalt  }
0x7e: {  	_ =	shalt  }
0x7f: {  	_ =	shalt  }
0x80: {  	_ =	shalt  }
0x81: {  	_ =	shalt  }
0x82: {  	_ =	shalt  }
0x83: {  	_ =	shalt  }
0x84: {  	_ =	shalt  }
0x85: {  	_ =	shalt  }
0x86: {  	_ =	shalt  }
0x87: {  	_ =	shalt  }
.Lfunc_end0:
.L_simem_size_0:
called_computation_lowered:
.L_overlay_start_0:
0x88: {  	s2 =	sld [smem:$0x3FD9]  }
0x89: {  	s3 =	sld [smem:$0x3FFE];
	_ =	sdelay $0x1  }
0x8a: {  	s1 =	srdreg.scid  }
0x8b: {  	s0 =	sand.u32 $0x1, s1  }
0x8c: {  	s17 =	sshll.u32 s0, $0xA;
	s2 =	sadd.s32 s3, s2  }
0x8d: {  	s2 =	sadd.s32 s2, s17  }
0x8e: {  	[smem:$0x3FC7] =	sst s2  }
0x8f: {  	_ = 	snop  }
0x90: {  	s2 =	sld [smem:$0x3FD0];
	(tm) =	ssettm $0x1  }
0x91: {  	s18 =	sld [smem:$0x3FFB];
	_ =	sdelay $0x3  }
0x92: {  	_ =	strace s18  }
0x93: {  	s3 =	sld [smem:$0x3FFC];
	_ =	sdelay $0x3  }
0x94: {  	_ =	strace s3  }
0x95: {  	s3 =	sld [smem:$0x3FFD];
	_ =	sdelay $0x3  }
0x96: {  	_ =	strace s3  }
0x97: {  	_ =	strace $0x8FFFFFFF  }
0x98: {  	s19 =	sld [smem:$0x3FDB];
	_ =	sdelay $0x1  }
0x99: {  	s4 =	simm.s32 $_scs_section_size  }
0x9a: {  	s5 =	simm.s32 $_size__tile_overlayer_lowered;
	s6 =	simm.s32 $_tile_overlayer_lowered  }
0x9b: {  	s22 =	simm.s32 $0x1BFF;
	s21 =	sshll.u32 s6, $0x1;
	s3 =	sadd.s32 s4, s19  }
0x9c: {  	s7 =	simm.s32 $0x0;
	s20 =	sshll.u32 s5, $0x1;
	s5 =	sadd.s32 s21, s3  }
0x9d: {  	[timem:s7], [sflag:s22] =	dma.local [hbm:s5], s20  }
0x9e: {  	_ =	swait.ge [sflag:s22], s20  }
0x9f: {  	s4 =	ssub.s32 $0x0, s20;
	[sflag:s22] =	ssyncset.done $0x0  }
0xa0: {  	[sflag:s22] =	ssyncadd.s32 s4;
	_ =	sdelay $0x1  }
0xa1: {  	s23 =	simm.s32 $0x1B8B  }
0xa2: {  	_ =	swait.ge [sflag:s23], $0x1  }
0xa3: {  	[sflag:s23] =	ssyncset.done $0x0  }
0xa4: {  	s25 =	simm.s32 $0x1B8E;
	s24 =	sld [smem:$0x3FFE];
	[sflag:s23] =	ssyncadd.s32 $0xFFFFFFFF  }
0xa5: {  	s26 =	simm.s32 $execute0_lowered;
	[smem:$0x3FD2] =	sst s25  }
0xa6: {  	s5 =	sshll.u32 s26, $0x1;
	_ =	strace $0x80000046;
	[dreg:$0x1] =	wrdreg $0xFFFFFFFF  }
0xa7: {  	s28 =	simm.s32 $_size_execute0_lowered;
	s3 =	sadd.s32 s3, s5;
	[dreg:$0x0] =	wrdreg $0x0  }
0xa8: {  	s5 =	sshll.u32 s28, $0x1;
	[dreg:$0x2] =	wrdreg s3  }
0xa9: {  	[dreg:$0x3] =	wrdreg s5  }
0xaa: {  	[dreg:$0x4] =	wrdreg $0xC0  }
0xab: {  	_ =	task [dreg:s7], $0x5FFFF  }
0xac: {  	[dreg:$0x1] =	wrdreg $0xFFFFFFFF  }
0xad: {  	[dreg:$0x0] =	wrdreg $0x60  }
0xae: {  	[dreg:$0x2] =	wrdreg s24  }
0xaf: {  	[dreg:$0x3] =	wrdreg s2  }
0xb0: {  	[dreg:$0x4] =	wrdreg $0x9  }
0xb1: {  	_ =	task.clear_ibuf [dreg:s7], $0x5FFFF;
	_ =	strace $0x90000046  }
0xb2: {  	s29 =	simm.s32 $0x9;
	_ =	strace $0x80000048  }
0xb3: {  	_ =	swait.ge [sflag:s29], $0x1  }
0xb4: {  	[sflag:s29] =	ssyncadd.s32 $0xFFFFFFFF  }
0xb5: {  	_ =	strace $0x90000048  }
0xb6: {  	_ =	sfence  }
0xb7: {  	s30 =	sld [smem:$0x0];
	_ =	sdelay $0x2  }
0xb8: {  	s31 =	sshll.u32 s1, $0xD;
	s1 =	sshrl.u32 s1, $0x2  }
0xb9: {  	s3 =	sand.u32 $0x4000, s31;
	s1 =	sadd.s32 s1, s30  }
0xba: {  	s0 =	sor.u32 s3, s0;
	s1 =	sshll.u32 s1, $0x11  }
0xbb: {  	s0 =	sor.u32 s1, s0  }
0xbc: {  	s0 =	sadd.s32 $0x8F2B, s0  }
0xbd: {  	[sflag:s0] =	ssyncadd.remote.s32 $0x1  }
0xbe: {  	_ =	sfence.sel $0xFFFF  }
0xbf: {  	[dreg:$0x0] =	wrdreg $0xFFFFFFFF;
	(pc) =	sbr.abs _section_cstart, $3  }
0xc0: {  	[dreg:$0x1] =	wrdreg $0xFFFFFFFF  }
0xc1: {  	_ =	task.clear_ibuf [dreg:s7], $0x2FFFF;
	_ =	strace $0x9FFFFFFF  }
0xc2: {  	(tm) =	ssettm $0x7FFFFFFF  }
0xc3: {  	_ =	shalt  }
tec
execute0_lowered:
.L_overlay_start_1:
0x0: {  	(tag) =	ssettag $0x1  }
0x1: {  	s3 =	rddreg [dreg:$0x0]  }
0x2: {  	s1 =	srdreg.scid;
	s0 =	stileid.u32  }
0x3: {  	s4 =	rddreg [dreg:$0x1];
	s9 =	simm.s32 $0x400;
	s10 =	simm.s32 $0x0  }
0x4: {  	s5 =	sand.u32 $0x1, s1;
	s2 =	sshll.u32 s0, $0x1;
	s1 =	rddreg [dreg:$0x2]  }
0x5: {  	s7 =	sshrl.u32 s0, $0x2;
	s6 =	sor.u32 s5, s2;
	s2 =	simm.s32 $0x0  }
0x6: {  	s7 =	smul.u32 $0x14000, s7;
	s5 =	ssub.s32 $0x2, s5;
	s8 =	sshll.u32 s6, $0x7  }
0x7: {  	[smem:$0x7FF] =	sst s2;
	s6 =	smul.u32 $0x500, s6;
	s31 =	sshrl.u32 s5, $0x1  }
0x8: {  	s8 =	sand.u32 $0x380, s8;
	_ =	strace $0x80000047;
	s5 =	ssub.s32 s5, s31  }
0x9: {  	s7 =	sor.u32 s7, s8;
	s3 =	sadd.s32 s6, s3;
	s5 =	smax.u32 s5, $0x1  }
0xa: {  	s6 =	simm.s32 $0x1;
	s8 =	simm.s32 $0x80;
	s7 =	sshrl.u32 s7, $0x3  }
0xb: {  	v0 =	vimm.f32 $0.0e+00;
	v1 =	vimm.f32 $1.000000000e+00;
	s3 =	sadd.s32 $0x400, s3;
	s4 =	sadd.s32 s4, s7;
	s7 =	simm.s32 $0x2800  }
.LBB2_1:
0xc: {  	[tilespmem:s2], [sflag:$0x1] =	stream.linear.gather [hbm4b:s3+s2], $0x2780, $0x38;
	[tilespmem:$0x5000] =	vst v63  }
0xd: {  	_ =	swait.ge [sflag:s6], $0x2780  }
0xe: {  	[sflag:s6] =	ssyncset.done $0x0  }
0xf: {  	s11 =	simm.s32 $0x0;
	[sflag:s6] =	ssyncadd.s32 $0xFFFFD880  }
.LBB2_2:
0x10: {  	p0 =	sne.s32 s11, $0x9FC0  }
.Ltmp0:
0x11: {  	_ = 	snop;
	(pc) =	sbr.rel @p0 .LBB2_2-.Ltmp0, $3  }
0x12: {  	_ =	sdelay $0x1  }
0x13: {  	s12 =	sshra.s32 s11, $0x2  }
0x14: {  	s11 =	sadd.s32 $0x40, s11;
	[tilespmem:s12+$0x2800] =	vst v0  }
0x15: {  	s11 =	simm.s32 $0x0  }
.LBB2_4:
0x16: {  	s12 =	sshra.s32 s11, $0x2  }
0x17: {  	v2 =	vld [tilespmem:s12+$0x0];
	_ =	sdelay $0x7  }
0x18: {  	[tilespmem:v2+s7+$0x0] =	vst.idx.add.f32.msk $0xffff, v1  }
0x19: {  	v2 =	vld [tilespmem:s12+$0x10];
	_ =	sdelay $0x7  }
0x1a: {  	[tilespmem:v2+s7+$0x0] =	vst.idx.add.f32.msk $0xffff, v1  }
0x1b: {  	v2 =	vld [tilespmem:s12+$0x20];
	_ =	sdelay $0x7  }
0x1c: {  	[tilespmem:v2+s7+$0x0] =	vst.idx.add.f32.msk $0xffff, v1  }
0x1d: {  	v2 =	vld [tilespmem:s12+$0x30];
	_ =	sdelay $0x7  }
0x1e: {  	[tilespmem:v2+s7+$0x0] =	vst.idx.add.f32.msk $0xffff, v1  }
0x1f: {  	v2 =	vld [tilespmem:s12+$0x40];
	_ =	sdelay $0x7  }
0x20: {  	[tilespmem:v2+s7+$0x0] =	vst.idx.add.f32.msk $0xffff, v1  }
0x21: {  	v2 =	vld [tilespmem:s12+$0x50];
	_ =	sdelay $0x7  }
0x22: {  	[tilespmem:v2+s7+$0x0] =	vst.idx.add.f32.msk $0xffff, v1  }
0x23: {  	v2 =	vld [tilespmem:s12+$0x60];
	_ =	sdelay $0x7  }
0x24: {  	[tilespmem:v2+s7+$0x0] =	vst.idx.add.f32.msk $0xffff, v1  }
0x25: {  	v2 =	vld [tilespmem:s12+$0x70];
	_ =	sdelay $0x2  }
0x26: {  	p0 =	sne.s32 s11, $0x9C00  }
.Ltmp1:
0x27: {  	_ = 	snop;
	(pc) =	sbr.rel @p0 .LBB2_4-.Ltmp1, $2  }
0x28: {  	_ =	sdelay $0x2  }
0x29: {  	s11 =	sadd.s32 $0x200, s11;
	[tilespmem:v2+s7+$0x0] =	vst.idx.add.f32.msk $0xffff, v1  }
0x2a: {  	s10 =	sadd.s32 $0x1, s10  }
0x2b: {  	p0 =	sne.s32 s10, s5  }
.Ltmp2:
0x2c: {  	_ = 	snop;
	(pc) =	sbr.rel @p0 .LBB2_1-.Ltmp2, $4  }
0x2d: {  	[hbm4b:s4+s8] =	stream.strided.scatter [tilespmem:s7], [sflag:$0x1], $0x2800, s9, s8, $0x38;
	[tilespmem:$0x5000] =	vst v63  }
0x2e: {  	_ =	swait.ge [sflag:s6], $0x2800  }
0x2f: {  	[sflag:s6] =	ssyncset.done $0x0  }
0x30: {  	[sflag:s6] =	ssyncadd.s32 $0xFFFFD800  }
0x31: {  	_ =	sfence.sel $0x180000  }
0x32: {  	[bflag:$0x0] =	sbarrier.arrive $0xFFFF  }
0x33: {  	p0 =	sne.s32 s0, $0x0;
	_ =	strace $0x90000047  }
0x34: {  	s0 =	sadd.s32 @!p0 $0x100000, s1;
	[bflag:$0x2] =	sbarrier.arrive $0xFFFF  }
0x35: {  	[sflag:s0] =	ssyncadd.tile.s32 @!p0 $0x1;
	_ =	shalt  }
.Lfunc_end2:
_tile_overlayer_lowered:
.L_overlay_start_2:
0x36: {  	(tag) =	ssettag $0x2  }
0x37: {  	s0 =	rddreg [dreg:$0x0];
	s2 =	stileid.u32  }
0x38: {  	s1 =	rddreg [dreg:$0x1];
	p0 =	sne.s32 s2, $0x0  }
0x39: {  	s3 =	rddreg [dreg:$0x2];
	[bflag:$0x3] =	sbarrier.arrive $0xFFFF;
	s2 =	simm.s32 @!p0 $0x1C01  }
0x3a: {  	[timem:s3], [sflag:s2] =	dma.local @!p0 [hbm:s0], s1  }
0x3b: {  	s0 =	simm.s32 @!p0 $0x1  }
0x3c: {  	_ =	swait.ge @!p0 [sflag:s0], s1  }
0x3d: {  	s1 =	ssub.s32 @!p0 $0x0, s1;
	[sflag:s0] =	ssyncset.done @!p0 $0x0  }
0x3e: {  	[sflag:s0] =	ssyncadd.s32 @!p0 s1  }
0x3f: {  	[bflag:$0x3] =	sbarrier.arrive $0xFFFF  }
0x40: {  	_ =	shalt  }

</sc_bundles>
